<compile_context>
chip_gen: v7x
topology: tpu7x:2x2x1
jax: 0.10.2.dev20260603
libtpu: 0.0.44.dev20260713+nightly
codegen_flags: <defaults>
</compile_context>

<pallas_src>
import dataclasses

import jax
import jax.numpy as jnp
import numpy as np
from jax.experimental import pallas as pl
from jax.experimental.pallas import tpu as pltpu
from jax.experimental.pallas import tpu_sc as plsc

NF = 26
VOCAB = 100000
EMB = 64
BATCH = 4096
NC = NF + 1

_NUNITS = NF * EMB
_NWORK = 32
_UPW = _NUNITS // _NWORK


def _sc_gather_planes(t3, idxT):
    vec_mesh = plsc.VectorSubcoreMesh(core_axis_name="c", subcore_axis_name="s")
    cp = pltpu.CompilerParams(use_tc_tiling_on_sc=True)
    if "needs_layout_passes" in pltpu.CompilerParams.__dataclass_fields__:
        cp = dataclasses.replace(cp, needs_layout_passes=False)

    @pl.kernel(
        out_type=jax.ShapeDtypeStruct((NF, EMB, BATCH), jnp.float32),
        mesh=vec_mesh,
        compiler_params=cp,
        scratch_types=[
            pltpu.VMEM((VOCAB,), jnp.float32),
            pltpu.VMEM((BATCH,), jnp.int32),
            pltpu.VMEM((BATCH,), jnp.float32),
        ],
    )
    def kern(t_hbm, i_hbm, o_hbm, plane_v, idx_v, out_v):
        wid = jax.lax.axis_index("c") * 16 + jax.lax.axis_index("s")

        @pl.loop(0, _UPW)
        def _unit(k):
            u = wid * _UPW + k
            f = u // EMB
            j = u % EMB
            pltpu.sync_copy(i_hbm.at[f], idx_v)
            pltpu.sync_copy(t_hbm.at[f, j], plane_v)

            @pl.loop(0, BATCH // 16)
            def _grp(g):
                iv = idx_v[pl.ds(g * 16, 16)]
                out_v[pl.ds(g * 16, 16)] = plsc.load_gather(plane_v, [iv])

            pltpu.sync_copy(out_v, o_hbm.at[f, j])

    return kern(t3, idxT)


_RB = 512


def _dot1(a, b):
    return jnp.dot(a.astype(jnp.bfloat16), b.astype(jnp.bfloat16),
                   preferred_element_type=jnp.float32)


def _gram1(c):
    ch = c.astype(jnp.bfloat16)
    return jax.lax.dot_general(ch, ch, (((2,), (2,)), ((0,), (0,))),
                               preferred_element_type=jnp.float32)


def _tc_body(d_ref, g_ref, w0, b0, w1, b1, w2, b2, wcat, fb0, fw1, fb1,
             fw2, fb2, o_ref):
    h = jnp.maximum(_dot1(d_ref[...], w0[...]) + b0[...], 0.0)
    h = jnp.maximum(_dot1(h, w1[...]) + b1[...], 0.0)
    ed = jnp.maximum(_dot1(h, w2[...]) + b2[...], 0.0)
    c = jnp.concatenate([ed[:, None, :], g_ref[...]], axis=1)
    gram = _gram1(c)
    cat = jnp.concatenate([ed, gram.reshape(_RB, NC * NC)], axis=1)
    g = jnp.maximum(_dot1(cat, wcat[...]) + fb0[...], 0.0)
    g = jnp.maximum(_dot1(g, fw1[...]) + fb1[...], 0.0)
    o_ref[...] = _dot1(g, fw2[...]) + fb2[...]


_iu = np.triu_indices(NC, k=1)
_pm = np.zeros((NC, NC), np.int32)
_pm[_iu] = np.arange(NC * (NC - 1) // 2, dtype=np.int32)
_pm = _pm + _pm.T
_PAIR_MAP = _pm.reshape(-1)
_OFFDIAG = (1.0 - np.eye(NC, dtype=np.float32)).reshape(-1, 1)


def _tc_forward(dense, g3, w0, b0, w1, b1, w2, b2, fw0, fb0, fw1, fb1, fw2, fb2):
    w2i = 0.5 * jnp.take(fw0[EMB:], _PAIR_MAP, axis=0) * _OFFDIAG
    wcat = jnp.concatenate([fw0[:EMB], w2i], axis=0)
    row = lambda v: v.reshape(1, -1)
    grid = BATCH // _RB
    full = lambda a: pl.BlockSpec(a.shape, lambda i: (0,) * a.ndim)
    args = (dense, g3, w0, row(b0), w1, row(b1), w2, row(b2), wcat, row(fb0),
            fw1, row(fb1), fw2, row(fb2))
    in_specs = [
        pl.BlockSpec((_RB, dense.shape[1]), lambda i: (i, 0)),
        pl.BlockSpec((_RB, NF, EMB), lambda i: (i, 0, 0)),
    ] + [full(a) for a in args[2:]]
    return pl.pallas_call(
        _tc_body,
        grid=(grid,),
        in_specs=in_specs,
        out_specs=pl.BlockSpec((_RB, 1), lambda i: (i, 0)),
        out_shape=jax.ShapeDtypeStruct((BATCH, 1), jnp.float32),
    )(*args)


def kernel(dense_features, sparse_features, emb_tables,
           w0, b0, w1, b1, w2, b2,
           fw0, fb0, fw1, fb1, fw2, fb2):
    t3 = jnp.transpose(emb_tables, (0, 2, 1))
    idxT = sparse_features.astype(jnp.int32).T
    p = _sc_gather_planes(t3, idxT)
    g3 = jnp.transpose(p, (2, 0, 1))
    return _tc_forward(dense_features, g3, w0, b0, w1, b1, w2, b2,
                       fw0, fb0, fw1, fb1, fw2, fb2)

# --- scband reference (transcript-rebuilt; emitter-appended) ---
"""Pipeline reference for scband-dlrm-15324443312164 (READ-ONLY COPY).

The authoritative reference and input builder live on the scoring server;
editing this copy changes nothing except your own understanding.
"""

import jax, jax.numpy as jnp
import numpy as np

NUM_FIELDS = 26
VOCAB = 100000
EMB = 64
B = 4096
DENSE_IN = 13


def _init_linear(key, fin, fout):
    k1, k2 = jax.random.split(key)
    w = jax.random.normal(k1, (fin, fout), jnp.float32) / np.sqrt(fin)
    b = jax.random.normal(k2, (fout,), jnp.float32) * 0.01
    return w, b


def setup_inputs(seed: int = 0) -> dict:
    key = jax.random.key(seed)
    ks = jax.random.split(key, 12)
    dense_features = jax.random.normal(ks[0], (B, DENSE_IN), jnp.float32)
    sparse_features = jax.random.randint(ks[1], (B, NUM_FIELDS), 0, VOCAB)
    emb_tables = jax.random.normal(ks[2], (NUM_FIELDS, VOCAB, EMB), jnp.float32) * 0.01
    # Dense arch MLP: 13 -> 512 -> 256 -> 64 (ReLU each layer)
    w0, b0 = _init_linear(ks[3], DENSE_IN, 512)
    w1, b1 = _init_linear(ks[4], 512, 256)
    w2, b2 = _init_linear(ks[5], 256, 64)
    # Final arch: 415 -> 512 -> 256 (ReLU) then 256 -> 1 (no activation)
    # final_in = emb_dim + comb(27,2 over triu of 27x27) = 64 + 351 = 415
    fin = EMB + (NUM_FIELDS + 1) * NUM_FIELDS // 2
    fw0, fb0 = _init_linear(ks[6], fin, 512)
    fw1, fb1 = _init_linear(ks[7], 512, 256)
    fw2, fb2 = _init_linear(ks[8], 256, 1)
    return {
        'dense_features': dense_features,
        'sparse_features': sparse_features,
        'emb_tables': emb_tables,
        'w0': w0, 'b0': b0, 'w1': w1, 'b1': b1, 'w2': w2, 'b2': b2,
        'fw0': fw0, 'fb0': fb0, 'fw1': fw1, 'fb1': fb1, 'fw2': fw2, 'fb2': fb2,
    }


def reference(dense_features, sparse_features, emb_tables,
              w0, b0, w1, b1, w2, b2,
              fw0, fb0, fw1, fb1, fw2, fb2):
    # DenseArch: MLP with ReLU on every layer
    h = jax.nn.relu(dense_features @ w0 + b0)
    h = jax.nn.relu(h @ w1 + b1)
    embedded_dense = jax.nn.relu(h @ w2 + b2)  # [B, EMB]
    # SparseArch: per-field embedding lookup (gather)
    embedded_sparse = jnp.stack(
        [jnp.take(emb_tables[f], sparse_features[:, f], axis=0) for f in range(NUM_FIELDS)],
        axis=1)  # [B, NUM_FIELDS, EMB]
    # InteractionArch: pairwise dot products over concat(dense, sparse)
    combined = jnp.concatenate([embedded_dense[:, None, :], embedded_sparse], axis=1)  # [B, 27, EMB]
    interactions = jnp.einsum('bij,bkj->bik', combined, combined)  # [B, 27, 27]
    iu = np.triu_indices(NUM_FIELDS + 1, k=1)
    interactions_flat = interactions[:, iu[0], iu[1]]  # [B, 351]
    concatenated = jnp.concatenate([embedded_dense, interactions_flat], axis=1)  # [B, 415]
    # FinalArch: MLP (ReLU) then plain Linear
    g = jax.nn.relu(concatenated @ fw0 + fb0)
    g = jax.nn.relu(g @ fw1 + fb1)
    logits = g @ fw2 + fb2  # [B, 1]
    return logits

if __name__ == "__main__":
    import jax
    _d = setup_inputs()
    print(jax.jit(kernel)(*tuple(_d.values())))

</pallas_src>

<mosaic_0001>
#map = affine_map<(d0, d1) -> (0, 0, 0)>
#map1 = affine_map<(d0, d1) -> (0, 0)>
module attributes {stable_mosaic.version = 14 : i64} {
  func.func @kern(%arg0: i32, %arg1: i32, %arg2: memref<26x64x100000xf32, #tpu.memory_space<hbm>>, %arg3: memref<26x4096xi32, #tpu.memory_space<hbm>>, %arg4: memref<26x64x4096xf32, #tpu.memory_space<hbm>>, %arg5: memref<100000xf32, #tpu.memory_space<vmem>>, %arg6: memref<4096xi32, #tpu.memory_space<vmem>>, %arg7: memref<4096xf32, #tpu.memory_space<vmem>>) attributes {dimension_semantics = [#tpu.dimension_semantics<core_parallel>, #tpu.dimension_semantics<subcore_parallel>], iteration_bounds = array<i64: 2, 16>, scalar_prefetch = 0 : i64, scratch_operands = 3 : i64, tpu.core_type = #tpu.core_type<sc_vector_subcore>, window_params = [{transform_indices = #map}, {transform_indices = #map1}, {transform_indices = #map}]} {
    %mul3A = arith.constant 16 : i32
    %mul3A_0 = arith.muli %arg0, %mul3A : i32
    %add3A = arith.addi %mul3A_0, %arg1 : i32
    %scan3A = arith.constant 0 : i32
    %scan3A_1 = arith.constant 52 : i32
    %scan3A_2 = arith.addi %scan3A, %scan3A_1 : i32
    %scan3A_3 = arith.constant 1 : i32
    scf.for %scan3A_5 = %scan3A to %scan3A_2 step %scan3A_3  : i32 {
      %mul3A_6 = arith.constant 1 : i32
      %mul3A_7 = arith.muli %scan3A_5, %mul3A_6 : i32
      %add3A_8 = arith.constant 0 : i32
      %add3A_9 = arith.addi %add3A_8, %mul3A_7 : i32
      %mul3A_10 = arith.constant 52 : i32
      %mul3A_11 = arith.muli %add3A, %mul3A_10 : i32
      %add3A_12 = arith.addi %mul3A_11, %add3A_9 : i32
      %jit3A = arith.constant 64 : i32
      %div3A = arith.divsi %add3A_12, %jit3A : i32
      %sign3A = arith.constant 0 : i32
      %sign3A_13 = arith.cmpi sgt, %add3A_12, %sign3A : i32
      %sign3A_14 = arith.extui %sign3A_13 : i1 to i32
      %sign3A_15 = arith.constant 0 : i32
      %sign3A_16 = arith.cmpi slt, %add3A_12, %sign3A_15 : i32
      %sign3A_17 = arith.extui %sign3A_16 : i1 to i32
      %sign3A_18 = arith.subi %sign3A_14, %sign3A_17 : i32
      %sign3A_19 = arith.constant 0 : i32
      %sign3A_20 = arith.cmpi sgt, %jit3A, %sign3A_19 : i32
      %sign3A_21 = arith.extui %sign3A_20 : i1 to i32
      %sign3A_22 = arith.constant 0 : i32
      %sign3A_23 = arith.cmpi slt, %jit3A, %sign3A_22 : i32
      %sign3A_24 = arith.extui %sign3A_23 : i1 to i32
      %sign3A_25 = arith.subi %sign3A_21, %sign3A_24 : i32
      %ne3A = arith.cmpi ne, %sign3A_18, %sign3A_25 : i32
      %rem3A = arith.remsi %add3A_12, %jit3A : i32
      %ne3A_26 = arith.constant 0 : i32
      %ne3A_27 = arith.cmpi ne, %rem3A, %ne3A_26 : i32
      %and3A = arith.andi %ne3A, %ne3A_27 : i1
      %sub3A = arith.constant 1 : i32
      %sub3A_28 = arith.subi %div3A, %sub3A : i32
      %select_n3A = arith.select %and3A, %sub3A_28, %div3A : i32
      %jit3A_29 = arith.constant 64 : i32
      %eq3A = arith.constant 0 : i32
      %eq3A_30 = arith.cmpi eq, %jit3A_29, %eq3A : i32
      %jit3A_31 = arith.constant 1 : i32
      %select_n3A_32 = arith.select %eq3A_30, %jit3A_31, %jit3A_29 : i32
      %rem3A_33 = arith.remsi %add3A_12, %select_n3A_32 : i32
      %ne3A_34 = arith.constant 0 : i32
      %ne3A_35 = arith.cmpi ne, %rem3A_33, %ne3A_34 : i32
      %lt3A = arith.constant 0 : i32
      %lt3A_36 = arith.cmpi slt, %rem3A_33, %lt3A : i32
      %lt3A_37 = arith.constant 0 : i32
      %lt3A_38 = arith.cmpi slt, %select_n3A_32, %lt3A_37 : i32
      %ne3A_39 = arith.xori %lt3A_36, %lt3A_38 : i1
      %and3A_40 = arith.andi %ne3A_39, %ne3A_35 : i1
      %add3A_41 = arith.addi %rem3A_33, %select_n3A_32 : i32
      %select_n3A_42 = arith.select %and3A_40, %add3A_41, %rem3A_33 : i32
      "tpu.region"() ({
        %run_scoped3A = tpu.sem_alloc : memref<!tpu.dma_semaphore, #tpu.memory_space<semaphore_mem>>
        %dma_start3A = arith.constant 0 : i32
        %dma_start3A_48 = tpu.memref_slice %arg3[%select_n3A, %dma_start3A] : memref<26x4096xi32, #tpu.memory_space<hbm>> -> memref<1x4096xi32, #tpu.memory_space<hbm>>
        %dma_start3A_49 = tpu.memref_squeeze %dma_start3A_48 : memref<1x4096xi32, #tpu.memory_space<hbm>> -> memref<4096xi32, #tpu.memory_space<hbm>>
        %dma_start3A_50 = arith.constant 0 : i32
        %dma_start3A_51 = tpu.memref_slice %arg3[%select_n3A, %dma_start3A_50] : memref<26x4096xi32, #tpu.memory_space<hbm>> -> memref<1x4096xi32, #tpu.memory_space<hbm>>
        %dma_start3A_52 = tpu.memref_squeeze %dma_start3A_51 : memref<1x4096xi32, #tpu.memory_space<hbm>> -> memref<4096xi32, #tpu.memory_space<hbm>>
        tpu.enqueue_dma source(%dma_start3A_52 : memref<4096xi32, #tpu.memory_space<hbm>>) target(%arg6 : memref<4096xi32, #tpu.memory_space<vmem>>) target_semaphore(%run_scoped3A : memref<!tpu.dma_semaphore, #tpu.memory_space<semaphore_mem>>)
        %dma_wait3A = arith.constant 0 : i32
        %dma_wait3A_53 = tpu.memref_slice %arg3[%select_n3A, %dma_wait3A] : memref<26x4096xi32, #tpu.memory_space<hbm>> -> memref<1x4096xi32, #tpu.memory_space<hbm>>
        %dma_wait3A_54 = tpu.memref_squeeze %dma_wait3A_53 : memref<1x4096xi32, #tpu.memory_space<hbm>> -> memref<4096xi32, #tpu.memory_space<hbm>>
        %dma_wait3A_55 = arith.constant 0 : i32
        %dma_wait3A_56 = tpu.memref_slice %arg3[%select_n3A, %dma_wait3A_55] : memref<26x4096xi32, #tpu.memory_space<hbm>> -> memref<1x4096xi32, #tpu.memory_space<hbm>>
        %dma_wait3A_57 = tpu.memref_squeeze %dma_wait3A_56 : memref<1x4096xi32, #tpu.memory_space<hbm>> -> memref<4096xi32, #tpu.memory_space<hbm>>
        tpu.wait_dma2 semaphore(%run_scoped3A : memref<!tpu.dma_semaphore, #tpu.memory_space<semaphore_mem>>) src(%dma_wait3A_57 : memref<4096xi32, #tpu.memory_space<hbm>>) dst(%arg6 : memref<4096xi32, #tpu.memory_space<vmem>>)
        tpu.yield
      }) : () -> ()
      "tpu.region"() ({
        %run_scoped3A = tpu.sem_alloc : memref<!tpu.dma_semaphore, #tpu.memory_space<semaphore_mem>>
        %dma_start3A = arith.constant 0 : i32
        %dma_start3A_48 = tpu.memref_slice %arg2[%select_n3A, %select_n3A_42, %dma_start3A] : memref<26x64x100000xf32, #tpu.memory_space<hbm>> -> memref<1x1x100000xf32, #tpu.memory_space<hbm>>
        %dma_start3A_49 = tpu.memref_squeeze %dma_start3A_48 : memref<1x1x100000xf32, #tpu.memory_space<hbm>> -> memref<100000xf32, #tpu.memory_space<hbm>>
        %dma_start3A_50 = arith.constant 0 : i32
        %dma_start3A_51 = tpu.memref_slice %arg2[%select_n3A, %select_n3A_42, %dma_start3A_50] : memref<26x64x100000xf32, #tpu.memory_space<hbm>> -> memref<1x1x100000xf32, #tpu.memory_space<hbm>>
        %dma_start3A_52 = tpu.memref_squeeze %dma_start3A_51 : memref<1x1x100000xf32, #tpu.memory_space<hbm>> -> memref<100000xf32, #tpu.memory_space<hbm>>
        tpu.enqueue_dma source(%dma_start3A_52 : memref<100000xf32, #tpu.memory_space<hbm>>) target(%arg5 : memref<100000xf32, #tpu.memory_space<vmem>>) target_semaphore(%run_scoped3A : memref<!tpu.dma_semaphore, #tpu.memory_space<semaphore_mem>>)
        %dma_wait3A = arith.constant 0 : i32
        %dma_wait3A_53 = tpu.memref_slice %arg2[%select_n3A, %select_n3A_42, %dma_wait3A] : memref<26x64x100000xf32, #tpu.memory_space<hbm>> -> memref<1x1x100000xf32, #tpu.memory_space<hbm>>
        %dma_wait3A_54 = tpu.memref_squeeze %dma_wait3A_53 : memref<1x1x100000xf32, #tpu.memory_space<hbm>> -> memref<100000xf32, #tpu.memory_space<hbm>>
        %dma_wait3A_55 = arith.constant 0 : i32
        %dma_wait3A_56 = tpu.memref_slice %arg2[%select_n3A, %select_n3A_42, %dma_wait3A_55] : memref<26x64x100000xf32, #tpu.memory_space<hbm>> -> memref<1x1x100000xf32, #tpu.memory_space<hbm>>
        %dma_wait3A_57 = tpu.memref_squeeze %dma_wait3A_56 : memref<1x1x100000xf32, #tpu.memory_space<hbm>> -> memref<100000xf32, #tpu.memory_space<hbm>>
        tpu.wait_dma2 semaphore(%run_scoped3A : memref<!tpu.dma_semaphore, #tpu.memory_space<semaphore_mem>>) src(%dma_wait3A_57 : memref<100000xf32, #tpu.memory_space<hbm>>) dst(%arg5 : memref<100000xf32, #tpu.memory_space<vmem>>)
        tpu.yield
      }) : () -> ()
      %scan3A_43 = arith.constant 0 : i32
      %scan3A_44 = arith.constant 256 : i32
      %scan3A_45 = arith.addi %scan3A_43, %scan3A_44 : i32
      %scan3A_46 = arith.constant 1 : i32
      scf.for %scan3A_48 = %scan3A_43 to %scan3A_45 step %scan3A_46  : i32 {
        %mul3A_49 = arith.constant 1 : i32
        %mul3A_50 = arith.muli %scan3A_48, %mul3A_49 : i32
        %add3A_51 = arith.constant 0 : i32
        %add3A_52 = arith.addi %add3A_51, %mul3A_50 : i32
        %mul3A_53 = arith.constant 16 : i32
        %mul3A_54 = arith.muli %add3A_52, %mul3A_53 : i32
        %get3A = arith.index_cast %mul3A_54 : i32 to index
        %get3A_55 = tpu.vector_load %arg6[%get3A] {strides = array<i32>} : memref<4096xi32, #tpu.memory_space<vmem>>, vector<16xi32>,
        %gather3A = tpu.vector_load_idx %arg5[%get3A_55] : memref<100000xf32, #tpu.memory_space<vmem>>[vector<16xi32>], vector<16xf32>,
        %mul3A_56 = arith.constant 16 : i32
        %mul3A_57 = arith.muli %add3A_52, %mul3A_56 : i32
        %swap3A = arith.index_cast %mul3A_57 : i32 to index
        %swap3A_58 = tpu.vector_load %arg7[%swap3A] {strides = array<i32>} : memref<4096xf32, #tpu.memory_space<vmem>>, vector<16xf32>,
        tpu.vector_store %arg7[%swap3A], %gather3A {strides = array<i32>} : memref<4096xf32, #tpu.memory_space<vmem>>, vector<16xf32>,
      }
      %scan3A_47 = arith.constant 256 : i32
      "tpu.region"() ({
        %run_scoped3A = tpu.sem_alloc : memref<!tpu.dma_semaphore, #tpu.memory_space<semaphore_mem>>
        %dma_start3A = arith.constant 0 : i32
        %dma_start3A_48 = tpu.memref_slice %arg4[%select_n3A, %select_n3A_42, %dma_start3A] : memref<26x64x4096xf32, #tpu.memory_space<hbm>> -> memref<1x1x4096xf32, #tpu.memory_space<hbm>>
        %dma_start3A_49 = tpu.memref_squeeze %dma_start3A_48 : memref<1x1x4096xf32, #tpu.memory_space<hbm>> -> memref<4096xf32, #tpu.memory_space<hbm>>
        %dma_start3A_50 = arith.constant 0 : i32
        %dma_start3A_51 = tpu.memref_slice %arg4[%select_n3A, %select_n3A_42, %dma_start3A_50] : memref<26x64x4096xf32, #tpu.memory_space<hbm>> -> memref<1x1x4096xf32, #tpu.memory_space<hbm>>
        %dma_start3A_52 = tpu.memref_squeeze %dma_start3A_51 : memref<1x1x4096xf32, #tpu.memory_space<hbm>> -> memref<4096xf32, #tpu.memory_space<hbm>>
        tpu.enqueue_dma source(%arg7 : memref<4096xf32, #tpu.memory_space<vmem>>) target(%dma_start3A_52 : memref<4096xf32, #tpu.memory_space<hbm>>) target_semaphore(%run_scoped3A : memref<!tpu.dma_semaphore, #tpu.memory_space<semaphore_mem>>)
        %dma_wait3A = arith.constant 0 : i32
        %dma_wait3A_53 = tpu.memref_slice %arg4[%select_n3A, %select_n3A_42, %dma_wait3A] : memref<26x64x4096xf32, #tpu.memory_space<hbm>> -> memref<1x1x4096xf32, #tpu.memory_space<hbm>>
        %dma_wait3A_54 = tpu.memref_squeeze %dma_wait3A_53 : memref<1x1x4096xf32, #tpu.memory_space<hbm>> -> memref<4096xf32, #tpu.memory_space<hbm>>
        %dma_wait3A_55 = arith.constant 0 : i32
        %dma_wait3A_56 = tpu.memref_slice %arg4[%select_n3A, %select_n3A_42, %dma_wait3A_55] : memref<26x64x4096xf32, #tpu.memory_space<hbm>> -> memref<1x1x4096xf32, #tpu.memory_space<hbm>>
        %dma_wait3A_57 = tpu.memref_squeeze %dma_wait3A_56 : memref<1x1x4096xf32, #tpu.memory_space<hbm>> -> memref<4096xf32, #tpu.memory_space<hbm>>
        tpu.wait_dma2 semaphore(%run_scoped3A : memref<!tpu.dma_semaphore, #tpu.memory_space<semaphore_mem>>) src(%arg7 : memref<4096xf32, #tpu.memory_space<vmem>>) dst(%dma_wait3A_57 : memref<4096xf32, #tpu.memory_space<hbm>>)
        tpu.yield
      }) : () -> ()
    }
    %scan3A_4 = arith.constant 52 : i32
    return
  }
}

module attributes {stable_mosaic.version = 14 : i64} {
  func.func @_tc_body(%arg0: i32, %arg1: memref<512x13xf32, #tpu.memory_space<vmem>>, %arg2: memref<512x26x64xf32, #tpu.memory_space<vmem>>, %arg3: memref<13x512xf32, #tpu.memory_space<vmem>>, %arg4: memref<1x512xf32, #tpu.memory_space<vmem>>, %arg5: memref<512x256xf32, #tpu.memory_space<vmem>>, %arg6: memref<1x256xf32, #tpu.memory_space<vmem>>, %arg7: memref<256x64xf32, #tpu.memory_space<vmem>>, %arg8: memref<1x64xf32, #tpu.memory_space<vmem>>, %arg9: memref<793x512xf32, #tpu.memory_space<vmem>>, %arg10: memref<1x512xf32, #tpu.memory_space<vmem>>, %arg11: memref<512x256xf32, #tpu.memory_space<vmem>>, %arg12: memref<1x256xf32, #tpu.memory_space<vmem>>, %arg13: memref<256x1xf32, #tpu.memory_space<vmem>>, %arg14: memref<1x1xf32, #tpu.memory_space<vmem>>, %arg15: memref<512x1xf32, #tpu.memory_space<vmem>>) attributes {dimension_semantics = [#tpu.dimension_semantics<arbitrary>], iteration_bounds = array<i64: 8>, scalar_prefetch = 0 : i64, scratch_operands = 0 : i64, tpu.core_type = #tpu.core_type<tc>, window_params = [{transform_indices = @transform_0, window_bounds = array<i64: 512, 13>}, {transform_indices = @transform_1, window_bounds = array<i64: 512, 26, 64>}, {pipeline_mode = #tpu.pipeline_mode<synchronous>, transform_indices = @transform_2, window_bounds = array<i64: 13, 512>}, {pipeline_mode = #tpu.pipeline_mode<synchronous>, transform_indices = @transform_3, window_bounds = array<i64: 1, 512>}, {pipeline_mode = #tpu.pipeline_mode<synchronous>, transform_indices = @transform_4, window_bounds = array<i64: 512, 256>}, {pipeline_mode = #tpu.pipeline_mode<synchronous>, transform_indices = @transform_5, window_bounds = array<i64: 1, 256>}, {pipeline_mode = #tpu.pipeline_mode<synchronous>, transform_indices = @transform_6, window_bounds = array<i64: 256, 64>}, {pipeline_mode = #tpu.pipeline_mode<synchronous>, transform_indices = @transform_7, window_bounds = array<i64: 1, 64>}, {pipeline_mode = #tpu.pipeline_mode<synchronous>, transform_indices = @transform_8, window_bounds = array<i64: 793, 512>}, {pipeline_mode = #tpu.pipeline_mode<synchronous>, transform_indices = @transform_9, window_bounds = array<i64: 1, 512>}, {pipeline_mode = #tpu.pipeline_mode<synchronous>, transform_indices = @transform_10, window_bounds = array<i64: 512, 256>}, {pipeline_mode = #tpu.pipeline_mode<synchronous>, transform_indices = @transform_11, window_bounds = array<i64: 1, 256>}, {pipeline_mode = #tpu.pipeline_mode<synchronous>, transform_indices = @transform_12, window_bounds = array<i64: 256, 1>}, {pipeline_mode = #tpu.pipeline_mode<synchronous>, transform_indices = @transform_13, window_bounds = array<i64: 1, 1>}, {transform_indices = @transform_14, window_bounds = array<i64: 512, 1>}]} {
    %get3A = arith.constant 0 : index
    %get3A_0 = arith.constant 0 : index
    %get3A_1 = vector.load %arg1[%get3A, %get3A_0] : memref<512x13xf32, #tpu.memory_space<vmem>>, vector<512x13xf32>
    %get3A_2 = arith.constant 0 : index
    %get3A_3 = arith.constant 0 : index
    %get3A_4 = vector.load %arg3[%get3A_2, %get3A_3] : memref<13x512xf32, #tpu.memory_space<vmem>>, vector<13x512xf32>
    %convert_element_type3A = arith.truncf %get3A_1 : vector<512x13xf32> to vector<512x13xbf16>
    %convert_element_type3A_5 = arith.truncf %get3A_4 : vector<13x512xf32> to vector<13x512xbf16>
    %dot_general3A = arith.constant dense<0.000000e+00> : vector<512x512xf32>
    %dot_general3A_6 = tpu.matmul %convert_element_type3A, %convert_element_type3A_5, %dot_general3A {dimension_numbers = #tpu.dot_dimension_numbers<[1], [0], [0], [1], [0, 0, 1, 1], [], []>, transpose_lhs_hint = false} : vector<512x13xbf16>, vector<13x512xbf16>, vector<512x512xf32> -> vector<512x512xf32>
    %get3A_7 = arith.constant 0 : index
    %get3A_8 = arith.constant 0 : index
    %get3A_9 = vector.load %arg4[%get3A_7, %get3A_8] : memref<1x512xf32, #tpu.memory_space<vmem>>, vector<1x512xf32>
    %add3A = vector.broadcast %get3A_9 : vector<1x512xf32> to vector<512x512xf32>
    %add3A_10 = arith.addf %dot_general3A_6, %add3A : vector<512x512xf32>
    %max3A = arith.constant 0.000000e+00 : f32
    %max3A_11 = vector.broadcast %max3A : f32 to vector<512x512xf32>
    %max3A_12 = arith.maximumf %add3A_10, %max3A_11 : vector<512x512xf32>
    %get3A_13 = arith.constant 0 : index
    %get3A_14 = arith.constant 0 : index
    %get3A_15 = vector.load %arg5[%get3A_13, %get3A_14] : memref<512x256xf32, #tpu.memory_space<vmem>>, vector<512x256xf32>
    %convert_element_type3A_16 = arith.truncf %max3A_12 : vector<512x512xf32> to vector<512x512xbf16>
    %convert_element_type3A_17 = arith.truncf %get3A_15 : vector<512x256xf32> to vector<512x256xbf16>
    %dot_general3A_18 = arith.constant dense<0.000000e+00> : vector<512x256xf32>
    %dot_general3A_19 = tpu.matmul %convert_element_type3A_16, %convert_element_type3A_17, %dot_general3A_18 {dimension_numbers = #tpu.dot_dimension_numbers<[1], [0], [0], [1], [0, 0, 1, 1], [], []>, transpose_lhs_hint = false} : vector<512x512xbf16>, vector<512x256xbf16>, vector<512x256xf32> -> vector<512x256xf32>
    %get3A_20 = arith.constant 0 : index
    %get3A_21 = arith.constant 0 : index
    %get3A_22 = vector.load %arg6[%get3A_20, %get3A_21] : memref<1x256xf32, #tpu.memory_space<vmem>>, vector<1x256xf32>
    %add3A_23 = vector.broadcast %get3A_22 : vector<1x256xf32> to vector<512x256xf32>
    %add3A_24 = arith.addf %dot_general3A_19, %add3A_23 : vector<512x256xf32>
    %max3A_25 = arith.constant 0.000000e+00 : f32
    %max3A_26 = vector.broadcast %max3A_25 : f32 to vector<512x256xf32>
    %max3A_27 = arith.maximumf %add3A_24, %max3A_26 : vector<512x256xf32>
    %get3A_28 = arith.constant 0 : index
    %get3A_29 = arith.constant 0 : index
    %get3A_30 = vector.load %arg7[%get3A_28, %get3A_29] : memref<256x64xf32, #tpu.memory_space<vmem>>, vector<256x64xf32>
    %convert_element_type3A_31 = arith.truncf %max3A_27 : vector<512x256xf32> to vector<512x256xbf16>
    %convert_element_type3A_32 = arith.truncf %get3A_30 : vector<256x64xf32> to vector<256x64xbf16>
    %dot_general3A_33 = arith.constant dense<0.000000e+00> : vector<512x64xf32>
    %dot_general3A_34 = tpu.matmul %convert_element_type3A_31, %convert_element_type3A_32, %dot_general3A_33 {dimension_numbers = #tpu.dot_dimension_numbers<[1], [0], [0], [1], [0, 0, 1, 1], [], []>, transpose_lhs_hint = false} : vector<512x256xbf16>, vector<256x64xbf16>, vector<512x64xf32> -> vector<512x64xf32>
    %get3A_35 = arith.constant 0 : index
    %get3A_36 = arith.constant 0 : index
    %get3A_37 = vector.load %arg8[%get3A_35, %get3A_36] : memref<1x64xf32, #tpu.memory_space<vmem>>, vector<1x64xf32>
    %add3A_38 = vector.broadcast %get3A_37 : vector<1x64xf32> to vector<512x64xf32>
    %add3A_39 = arith.addf %dot_general3A_34, %add3A_38 : vector<512x64xf32>
    %max3A_40 = arith.constant 0.000000e+00 : f32
    %max3A_41 = vector.broadcast %max3A_40 : f32 to vector<512x64xf32>
    %max3A_42 = arith.maximumf %add3A_39, %max3A_41 : vector<512x64xf32>
    %broadcast_in_dim3A = vector.shape_cast %max3A_42 : vector<512x64xf32> to vector<512x1x64xf32>
    %get3A_43 = arith.constant 0 : index
    %get3A_44 = arith.constant 0 : index
    %get3A_45 = arith.constant 0 : index
    %get3A_46 = vector.load %arg2[%get3A_43, %get3A_44, %get3A_45] : memref<512x26x64xf32, #tpu.memory_space<vmem>>, vector<512x26x64xf32>
    %concatenate3A = tpu.concatenate %broadcast_in_dim3A, %get3A_46 in 1 : vector<512x1x64xf32>, vector<512x26x64xf32> -> vector<512x27x64xf32>
    %convert_element_type3A_47 = arith.truncf %concatenate3A : vector<512x27x64xf32> to vector<512x27x64xbf16>
    %dot_general3A_48 = arith.constant dense<0.000000e+00> : vector<512x27x27xf32>
    %dot_general3A_49 = tpu.matmul %convert_element_type3A_47, %convert_element_type3A_47, %dot_general3A_48 {dimension_numbers = #tpu.dot_dimension_numbers<[2], [2], [1], [1], [0, 0, 0, 1, 1, 1], [0], [0]>, transpose_lhs_hint = false} : vector<512x27x64xbf16>, vector<512x27x64xbf16>, vector<512x27x27xf32> -> vector<512x27x27xf32>
    %reshape3A = vector.shape_cast %dot_general3A_49 : vector<512x27x27xf32> to vector<512x729xf32>
    %concatenate3A_50 = tpu.concatenate %max3A_42, %reshape3A in 1 : vector<512x64xf32>, vector<512x729xf32> -> vector<512x793xf32>
    %get3A_51 = arith.constant 0 : index
    %get3A_52 = arith.constant 0 : index
    %get3A_53 = vector.load %arg9[%get3A_51, %get3A_52] : memref<793x512xf32, #tpu.memory_space<vmem>>, vector<793x512xf32>
    %convert_element_type3A_54 = arith.truncf %concatenate3A_50 : vector<512x793xf32> to vector<512x793xbf16>
    %convert_element_type3A_55 = arith.truncf %get3A_53 : vector<793x512xf32> to vector<793x512xbf16>
    %dot_general3A_56 = arith.constant dense<0.000000e+00> : vector<512x512xf32>
    %dot_general3A_57 = tpu.matmul %convert_element_type3A_54, %convert_element_type3A_55, %dot_general3A_56 {dimension_numbers = #tpu.dot_dimension_numbers<[1], [0], [0], [1], [0, 0, 1, 1], [], []>, transpose_lhs_hint = false} : vector<512x793xbf16>, vector<793x512xbf16>, vector<512x512xf32> -> vector<512x512xf32>
    %get3A_58 = arith.constant 0 : index
    %get3A_59 = arith.constant 0 : index
    %get3A_60 = vector.load %arg10[%get3A_58, %get3A_59] : memref<1x512xf32, #tpu.memory_space<vmem>>, vector<1x512xf32>
    %add3A_61 = vector.broadcast %get3A_60 : vector<1x512xf32> to vector<512x512xf32>
    %add3A_62 = arith.addf %dot_general3A_57, %add3A_61 : vector<512x512xf32>
    %max3A_63 = arith.constant 0.000000e+00 : f32
    %max3A_64 = vector.broadcast %max3A_63 : f32 to vector<512x512xf32>
    %max3A_65 = arith.maximumf %add3A_62, %max3A_64 : vector<512x512xf32>
    %get3A_66 = arith.constant 0 : index
    %get3A_67 = arith.constant 0 : index
    %get3A_68 = vector.load %arg11[%get3A_66, %get3A_67] : memref<512x256xf32, #tpu.memory_space<vmem>>, vector<512x256xf32>
    %convert_element_type3A_69 = arith.truncf %max3A_65 : vector<512x512xf32> to vector<512x512xbf16>
    %convert_element_type3A_70 = arith.truncf %get3A_68 : vector<512x256xf32> to vector<512x256xbf16>
    %dot_general3A_71 = arith.constant dense<0.000000e+00> : vector<512x256xf32>
    %dot_general3A_72 = tpu.matmul %convert_element_type3A_69, %convert_element_type3A_70, %dot_general3A_71 {dimension_numbers = #tpu.dot_dimension_numbers<[1], [0], [0], [1], [0, 0, 1, 1], [], []>, transpose_lhs_hint = false} : vector<512x512xbf16>, vector<512x256xbf16>, vector<512x256xf32> -> vector<512x256xf32>
    %get3A_73 = arith.constant 0 : index
    %get3A_74 = arith.constant 0 : index
    %get3A_75 = vector.load %arg12[%get3A_73, %get3A_74] : memref<1x256xf32, #tpu.memory_space<vmem>>, vector<1x256xf32>
    %add3A_76 = vector.broadcast %get3A_75 : vector<1x256xf32> to vector<512x256xf32>
    %add3A_77 = arith.addf %dot_general3A_72, %add3A_76 : vector<512x256xf32>
    %max3A_78 = arith.constant 0.000000e+00 : f32
    %max3A_79 = vector.broadcast %max3A_78 : f32 to vector<512x256xf32>
    %max3A_80 = arith.maximumf %add3A_77, %max3A_79 : vector<512x256xf32>
    %get3A_81 = arith.constant 0 : index
    %get3A_82 = arith.constant 0 : index
    %get3A_83 = vector.load %arg13[%get3A_81, %get3A_82] : memref<256x1xf32, #tpu.memory_space<vmem>>, vector<256x1xf32>
    %convert_element_type3A_84 = arith.truncf %max3A_80 : vector<512x256xf32> to vector<512x256xbf16>
    %convert_element_type3A_85 = arith.truncf %get3A_83 : vector<256x1xf32> to vector<256x1xbf16>
    %dot_general3A_86 = arith.constant dense<0.000000e+00> : vector<512x1xf32>
    %dot_general3A_87 = tpu.matmul %convert_element_type3A_84, %convert_element_type3A_85, %dot_general3A_86 {dimension_numbers = #tpu.dot_dimension_numbers<[1], [0], [0], [1], [0, 0, 1, 1], [], []>, transpose_lhs_hint = false} : vector<512x256xbf16>, vector<256x1xbf16>, vector<512x1xf32> -> vector<512x1xf32>
    %get3A_88 = arith.constant 0 : index
    %get3A_89 = arith.constant 0 : index
    %get3A_90 = vector.load %arg14[%get3A_88, %get3A_89] : memref<1x1xf32, #tpu.memory_space<vmem>>, vector<1x1xf32>
    %add3A_91 = vector.broadcast %get3A_90 : vector<1x1xf32> to vector<512x1xf32>
    %add3A_92 = arith.addf %dot_general3A_87, %add3A_91 : vector<512x1xf32>
    %swap3A = arith.constant 0 : index
    %swap3A_93 = arith.constant 0 : index
    %swap3A_94 = vector.load %arg15[%swap3A, %swap3A_93] : memref<512x1xf32, #tpu.memory_space<vmem>>, vector<512x1xf32>
    tpu.vector_store %arg15[%swap3A, %swap3A_93], %add3A_92 {strides = array<i32>} : memref<512x1xf32, #tpu.memory_space<vmem>>, vector<512x1xf32>,
    return
  }
  func.func @transform_0(%arg0: i32) -> (i32, i32) {
    %c0_i32 = arith.constant 0 : i32
    %c0_i32_0 = arith.constant 0 : i32
    return %arg0, %c0_i32 : i32, i32
  }
  func.func @transform_1(%arg0: i32) -> (i32, i32, i32) {
    %c0_i32 = arith.constant 0 : i32
    %c0_i32_0 = arith.constant 0 : i32
    %c0_i32_1 = arith.constant 0 : i32
    return %arg0, %c0_i32, %c0_i32_0 : i32, i32, i32
  }
  func.func @transform_2(%arg0: i32) -> (i32, i32) {
    %c0_i32 = arith.constant 0 : i32
    %c0_i32_0 = arith.constant 0 : i32
    %c0_i32_1 = arith.constant 0 : i32
    return %c0_i32, %c0_i32_0 : i32, i32
  }
  func.func @transform_3(%arg0: i32) -> (i32, i32) {
    %c0_i32 = arith.constant 0 : i32
    %c0_i32_0 = arith.constant 0 : i32
    %c0_i32_1 = arith.constant 0 : i32
    return %c0_i32, %c0_i32_0 : i32, i32
  }
  func.func @transform_4(%arg0: i32) -> (i32, i32) {
    %c0_i32 = arith.constant 0 : i32
    %c0_i32_0 = arith.constant 0 : i32
    %c0_i32_1 = arith.constant 0 : i32
    return %c0_i32, %c0_i32_0 : i32, i32
  }
  func.func @transform_5(%arg0: i32) -> (i32, i32) {
    %c0_i32 = arith.constant 0 : i32
    %c0_i32_0 = arith.constant 0 : i32
    %c0_i32_1 = arith.constant 0 : i32
    return %c0_i32, %c0_i32_0 : i32, i32
  }
  func.func @transform_6(%arg0: i32) -> (i32, i32) {
    %c0_i32 = arith.constant 0 : i32
    %c0_i32_0 = arith.constant 0 : i32
    %c0_i32_1 = arith.constant 0 : i32
    return %c0_i32, %c0_i32_0 : i32, i32
  }
  func.func @transform_7(%arg0: i32) -> (i32, i32) {
    %c0_i32 = arith.constant 0 : i32
    %c0_i32_0 = arith.constant 0 : i32
    %c0_i32_1 = arith.constant 0 : i32
    return %c0_i32, %c0_i32_0 : i32, i32
  }
  func.func @transform_8(%arg0: i32) -> (i32, i32) {
    %c0_i32 = arith.constant 0 : i32
    %c0_i32_0 = arith.constant 0 : i32
    %c0_i32_1 = arith.constant 0 : i32
    return %c0_i32, %c0_i32_0 : i32, i32
  }
  func.func @transform_9(%arg0: i32) -> (i32, i32) {
    %c0_i32 = arith.constant 0 : i32
    %c0_i32_0 = arith.constant 0 : i32
    %c0_i32_1 = arith.constant 0 : i32
    return %c0_i32, %c0_i32_0 : i32, i32
  }
  func.func @transform_10(%arg0: i32) -> (i32, i32) {
    %c0_i32 = arith.constant 0 : i32
    %c0_i32_0 = arith.constant 0 : i32
    %c0_i32_1 = arith.constant 0 : i32
    return %c0_i32, %c0_i32_0 : i32, i32
  }
  func.func @transform_11(%arg0: i32) -> (i32, i32) {
    %c0_i32 = arith.constant 0 : i32
    %c0_i32_0 = arith.constant 0 : i32
    %c0_i32_1 = arith.constant 0 : i32
    return %c0_i32, %c0_i32_0 : i32, i32
  }
  func.func @transform_12(%arg0: i32) -> (i32, i32) {
    %c0_i32 = arith.constant 0 : i32
    %c0_i32_0 = arith.constant 0 : i32
    %c0_i32_1 = arith.constant 0 : i32
    return %c0_i32, %c0_i32_0 : i32, i32
  }
  func.func @transform_13(%arg0: i32) -> (i32, i32) {
    %c0_i32 = arith.constant 0 : i32
    %c0_i32_0 = arith.constant 0 : i32
    %c0_i32_1 = arith.constant 0 : i32
    return %c0_i32, %c0_i32_0 : i32, i32
  }
  func.func @transform_14(%arg0: i32) -> (i32, i32) {
    %c0_i32 = arith.constant 0 : i32
    %c0_i32_0 = arith.constant 0 : i32
    return %arg0, %c0_i32 : i32, i32
  }
}

</mosaic_0001>

<sc_bundles>
// kernel: kernel.4.cloned.1.call-start
scs
__scs_entry_jumppad:
0x0: {  	(pc) =	sbr.rel $0x88, $3  }
0x1: {  	(tag) =	ssettag $0x0;
	lr =	simm.s32 $0x1  }
0x2: {  	[smem:$0x3F92] =	sst lr;
	_ =	strace $0xD0000000  }
0x3: {  	_ = 	snop  }
0x4: {  	_ = 	snop  }
0x5: {  	_ = 	snop  }
0x6: {  	_ = 	snop  }
0x7: {  	_ = 	snop  }
__scs_overlays_trampoline_lowered:
0x8: {  	[smem:$0x3FA1] =	sst s0  }
0x9: {  	[smem:$0x3FA2] =	sst s1  }
0xa: {  	[smem:$0x3FA3] =	sst s2  }
0xb: {  	[smem:$0x3FA4] =	sst s3  }
0xc: {  	[smem:$0x3FA5] =	sst s4  }
0xd: {  	[smem:$0x3FA6] =	sst s5  }
0xe: {  	[smem:$0x3FA7] =	sst s6  }
0xf: {  	[smem:$0x3FA8] =	sst s7  }
0x10: {  	[smem:$0x3FA9] =	sst s8  }
0x11: {  	[smem:$0x3FAA] =	sst s9;
	s0 =	simm.s32 @!p0 $0x0  }
0x12: {  	s1 =	sld [smem:$0x3F90];
	s0 =	simm.s32 @p0 $0x1  }
0x13: {  	[smem:$0x3FAB] =	sst s0;
	s0 =	simm.s32 @!p1 $0x0  }
0x14: {  	s2 =	sld [smem:$0x3F8F];
	s0 =	simm.s32 @p1 $0x1  }
0x15: {  	[smem:$0x3FAC] =	sst s0;
	s0 =	simm.s32 @!p2 $0x0  }
0x16: {  	s3 =	sld [smem:$0x3FDB];
	s0 =	simm.s32 @p2 $0x1  }
0x17: {  	s4 =	simm.s32 $0x1BF5;
	[smem:$0x3FAE] =	sst s0  }
0x18: {  	s0 =	sld [smem:$0x3F91];
	_ =	swait.ge [sflag:s4], $0x0  }
0x19: {  	s7 =	sld [smem:$0x3F92]  }
0x1a: {  	s8 =	sadd.s32 $0xFFFFE003, lr  }
0x1b: {  	s9 =	sadd.s32 $0xFFFFFEF7, lr;
	s5 =	simm.s32 $0xFFFFFFFF;
	p2 =	slt.u32 s8, $0xFFFFF086  }
0x1c: {  	p1 =	slt.u32 s9, $0xF7A;
	s5 =	simm.s32 @!p2 $0x0  }
0x1d: {  	s5 =	simm.s32 @p1 $0x1;
	p0 =	seq.s32 s7, s2  }
0x1e: {  	s7 =	smul.u32 @!p0 $0xF7A, s2;
	p2 =	seq.s32 @!p0 s5, $0x0  }
0x1f: {  	s9 =	smul.u32 $0xF7A, s1;
	s8 =	simm.s32 @!p0 $0x1BF5;
	p2 =	por !p2, p0  }
0x20: {  	[sflag:s8] =	ssyncset.s32 @!p0 $0xFFFFF086;
	s6 =	sadd.s32 @!p0 s3, s7;
	s7 =	simm.s32 @!p0 $0x108  }
0x21: {  	s3 =	sadd.s32 s3, s9;
	s6 =	sadd.s32 @!p0 $0x88, s6;
	s7 =	simm.s32 @p2 $0x1082  }
0x22: {  	[simem:s7], [sflag:s8] =	dma.local @!p0 [hbm:s6], $0xF7A  }
0x23: {  	s9 =	sor.u32 $0xD0000000, s2;
	s6 =	simm.s32 $0x108;
	_ =	swait.ge @!p0 [sflag:s8], $0x0  }
0x24: {  	s3 =	sadd.s32 $0x88, s3;
	s6 =	simm.s32 @!p1 $0x1082;
	[sflag:s4] =	ssyncset.s32 $0xFFFFF086  }
0x25: {  	[simem:s6], [sflag:s4] =	dma.local [hbm:s3], $0xF7A  }
0x26: {  	[smem:$0x3F92] =	sst s1;
	(tag) =	ssettag s2;
	_ =	strace s9  }
0x27: {  	s1 =	sld [smem:$0x3FA2]  }
0x28: {  	s2 =	sld [smem:$0x3FA3]  }
0x29: {  	s4 =	sld [smem:$0x3FA5]  }
0x2a: {  	p0 =	seq.s32 s5, $0x0;
	s5 =	sld [smem:$0x3FA6]  }
0x2b: {  	s6 =	sld [smem:$0x3FA7]  }
0x2c: {  	s7 =	sld [smem:$0x3FA8]  }
0x2d: {  	s3 =	simm.s32 $0x108;
	s8 =	sld [smem:$0x3FA9]  }
0x2e: {  	s3 =	simm.s32 @!p0 $0x1082;
	s9 =	sld [smem:$0x3FAA]  }
0x2f: {  	lr =	sadd.s32 s0, s3;
	s0 =	sld [smem:$0x3FA1]  }
0x30: {  	s3 =	sld [smem:$0x3FA4]  }
0x31: {  	[smem:$0x3FAD] =	sst s10  }
0x32: {  	s10 =	sld [smem:$0x3FAB];
	_ =	sdelay $0x3  }
0x33: {  	p0 =	seq.s32 s10, $0x1;
	s10 =	sld [smem:$0x3FAD];
	_ =	sdelay $0x3  }
0x34: {  	[smem:$0x3FAD] =	sst s10  }
0x35: {  	s10 =	sld [smem:$0x3FAC];
	_ =	sdelay $0x3  }
0x36: {  	p1 =	seq.s32 s10, $0x1;
	s10 =	sld [smem:$0x3FAD];
	_ =	sdelay $0x3  }
0x37: {  	[smem:$0x3FAD] =	sst s10  }
0x38: {  	s10 =	sld [smem:$0x3FAE]  }
0x39: {  	_ = 	snop;
	(pc) =	sbr.ind lr, $3  }
0x3a: {  	_ = 	snop  }
0x3b: {  	_ = 	snop  }
0x3c: {  	p2 =	seq.s32 s10, $0x1;
	s10 =	sld [smem:$0x3FAD]  }
0x3d: {  	_ =	shalt  }
0x3e: {  	_ =	shalt  }
0x3f: {  	_ =	shalt  }
0x40: {  	_ =	shalt  }
0x41: {  	_ =	shalt  }
0x42: {  	_ =	shalt  }
0x43: {  	_ =	shalt  }
0x44: {  	_ =	shalt  }
0x45: {  	_ =	shalt  }
0x46: {  	_ =	shalt  }
0x47: {  	_ =	shalt  }
0x48: {  	_ =	shalt  }
0x49: {  	_ =	shalt  }
0x4a: {  	_ =	shalt  }
0x4b: {  	_ =	shalt  }
0x4c: {  	_ =	shalt  }
0x4d: {  	_ =	shalt  }
0x4e: {  	_ =	shalt  }
0x4f: {  	_ =	shalt  }
0x50: {  	_ =	shalt  }
0x51: {  	_ =	shalt  }
0x52: {  	_ =	shalt  }
0x53: {  	_ =	shalt  }
0x54: {  	_ =	shalt  }
0x55: {  	_ =	shalt  }
0x56: {  	_ =	shalt  }
0x57: {  	_ =	shalt  }
0x58: {  	_ =	shalt  }
0x59: {  	_ =	shalt  }
0x5a: {  	_ =	shalt  }
0x5b: {  	_ =	shalt  }
0x5c: {  	_ =	shalt  }
0x5d: {  	_ =	shalt  }
0x5e: {  	_ =	shalt  }
0x5f: {  	_ =	shalt  }
0x60: {  	_ =	shalt  }
0x61: {  	_ =	shalt  }
0x62: {  	_ =	shalt  }
0x63: {  	_ =	shalt  }
0x64: {  	_ =	shalt  }
0x65: {  	_ =	shalt  }
0x66: {  	_ =	shalt  }
0x67: {  	_ =	shalt  }
0x68: {  	_ =	shalt  }
0x69: {  	_ =	shalt  }
0x6a: {  	_ =	shalt  }
0x6b: {  	_ =	shalt  }
0x6c: {  	_ =	shalt  }
0x6d: {  	_ =	shalt  }
0x6e: {  	_ =	shalt  }
0x6f: {  	_ =	shalt  }
0x70: {  	_ =	shalt  }
0x71: {  	_ =	shalt  }
0x72: {  	_ =	shalt  }
0x73: {  	_ =	shalt  }
0x74: {  	_ =	shalt  }
0x75: {  	_ =	shalt  }
0x76: {  	_ =	shalt  }
0x77: {  	_ =	shalt  }
0x78: {  	_ =	shalt  }
0x79: {  	_ =	shalt  }
0x7a: {  	_ =	shalt  }
0x7b: {  	_ =	shalt  }
0x7c: {  	_ =	shalt  }
0x7d: {  	_ =	shalt  }
0x7e: {  	_ =	shalt  }
0x7f: {  	_ =	shalt  }
0x80: {  	_ =	shalt  }
0x81: {  	_ =	shalt  }
0x82: {  	_ =	shalt  }
0x83: {  	_ =	shalt  }
0x84: {  	_ =	shalt  }
0x85: {  	_ =	shalt  }
0x86: {  	_ =	shalt  }
0x87: {  	_ =	shalt  }
.Lfunc_end0:
.L_simem_size_0:
called_computation_lowered:
.L_overlay_start_0:
0x88: {  	s2 =	sld [smem:$0x3FD9]  }
0x89: {  	s3 =	sld [smem:$0x3FFE];
	_ =	sdelay $0x1  }
0x8a: {  	s1 =	srdreg.scid  }
0x8b: {  	s0 =	sand.u32 $0x1, s1  }
0x8c: {  	s17 =	sshll.u32 s0, $0xA;
	s2 =	sadd.s32 s3, s2  }
0x8d: {  	s2 =	sadd.s32 s2, s17  }
0x8e: {  	[smem:$0x3FB9] =	sst s2  }
0x8f: {  	_ = 	snop  }
0x90: {  	s2 =	sld [smem:$0x3FC8]  }
0x91: {  	s18 =	sld [smem:$0x3FC7];
	(tm) =	ssettm $0x1  }
0x92: {  	s4 =	sld [smem:$0x3FFB];
	_ =	sdelay $0x3  }
0x93: {  	_ =	strace s4  }
0x94: {  	s4 =	sld [smem:$0x3FFC];
	_ =	sdelay $0x3  }
0x95: {  	_ =	strace s4  }
0x96: {  	s4 =	sld [smem:$0x3FFD];
	_ =	sdelay $0x3  }
0x97: {  	_ =	strace s4  }
0x98: {  	_ =	strace $0x8FFFFFFF  }
0x99: {  	s19 =	sld [smem:$0x3FDB];
	_ =	sdelay $0x1  }
0x9a: {  	s5 =	simm.s32 $_scs_section_size  }
0x9b: {  	s6 =	simm.s32 $_size__tile_overlayer_lowered;
	s7 =	simm.s32 $_tile_overlayer_lowered  }
0x9c: {  	s22 =	simm.s32 $0x1BFF;
	s21 =	sshll.u32 s7, $0x1;
	s4 =	sadd.s32 s5, s19  }
0x9d: {  	s8 =	simm.s32 $0x0;
	s20 =	sshll.u32 s6, $0x1;
	s6 =	sadd.s32 s21, s4  }
0x9e: {  	[timem:s8], [sflag:s22] =	dma.local [hbm:s6], s20  }
0x9f: {  	_ =	swait.ge [sflag:s22], s20  }
0xa0: {  	s5 =	ssub.s32 $0x0, s20;
	[sflag:s22] =	ssyncset.done $0x0  }
0xa1: {  	[sflag:s22] =	ssyncadd.s32 s5;
	_ =	sdelay $0x1  }
0xa2: {  	s23 =	simm.s32 $0x1B8B  }
0xa3: {  	_ =	swait.ge [sflag:s23], $0x1  }
0xa4: {  	[sflag:s23] =	ssyncset.done $0x0  }
0xa5: {  	s25 =	simm.s32 $0x1B8E;
	s24 =	sld [smem:$0x3FFE];
	[sflag:s23] =	ssyncadd.s32 $0xFFFFFFFF  }
0xa6: {  	s26 =	simm.s32 $execute0_lowered;
	[smem:$0x3FD2] =	sst s25  }
0xa7: {  	s6 =	sshll.u32 s26, $0x1;
	_ =	strace $0x80000046;
	[dreg:$0x1] =	wrdreg $0xFFFFFFFF  }
0xa8: {  	s28 =	simm.s32 $_size_execute0_lowered;
	s4 =	sadd.s32 s4, s6;
	[dreg:$0x0] =	wrdreg $0x0  }
0xa9: {  	s6 =	sshll.u32 s28, $0x1;
	[dreg:$0x2] =	wrdreg s4  }
0xaa: {  	[dreg:$0x3] =	wrdreg s6  }
0xab: {  	[dreg:$0x4] =	wrdreg $0xC0  }
0xac: {  	_ =	task [dreg:s8], $0x5FFFF  }
0xad: {  	[dreg:$0x1] =	wrdreg $0xFFFFFFFF  }
0xae: {  	[dreg:$0x0] =	wrdreg $0x60  }
0xaf: {  	[dreg:$0x2] =	wrdreg s18  }
0xb0: {  	[dreg:$0x3] =	wrdreg s2  }
0xb1: {  	[dreg:$0x4] =	wrdreg s24  }
0xb2: {  	[dreg:$0x5] =	wrdreg $0x9  }
0xb3: {  	_ =	task.clear_ibuf [dreg:s8], $0x6FFFF;
	_ =	strace $0x90000046  }
0xb4: {  	s29 =	simm.s32 $0x9;
	_ =	strace $0x80000048  }
0xb5: {  	_ =	swait.ge [sflag:s29], $0x1  }
0xb6: {  	[sflag:s29] =	ssyncadd.s32 $0xFFFFFFFF  }
0xb7: {  	_ =	strace $0x90000048  }
0xb8: {  	_ =	sfence  }
0xb9: {  	s30 =	sld [smem:$0x0];
	_ =	sdelay $0x2  }
0xba: {  	s31 =	sshll.u32 s1, $0xD;
	s1 =	sshrl.u32 s1, $0x2  }
0xbb: {  	s3 =	sand.u32 $0x4000, s31;
	s1 =	sadd.s32 s1, s30  }
0xbc: {  	s0 =	sor.u32 s3, s0;
	s1 =	sshll.u32 s1, $0x11  }
0xbd: {  	s0 =	sor.u32 s1, s0  }
0xbe: {  	s0 =	sadd.s32 $0x8F2B, s0  }
0xbf: {  	[sflag:s0] =	ssyncadd.remote.s32 $0x1  }
0xc0: {  	_ =	sfence.sel $0xFFFF  }
0xc1: {  	[dreg:$0x0] =	wrdreg $0xFFFFFFFF;
	(pc) =	sbr.abs _section_cstart, $3  }
0xc2: {  	[dreg:$0x1] =	wrdreg $0xFFFFFFFF  }
0xc3: {  	_ =	task.clear_ibuf [dreg:s8], $0x2FFFF;
	_ =	strace $0x9FFFFFFF  }
0xc4: {  	(tm) =	ssettm $0x7FFFFFFF  }
0xc5: {  	_ =	shalt  }
tec
execute0_lowered:
.L_overlay_start_1:
0x0: {  	(tag) =	ssettag $0x1  }
0x1: {  	s1 =	rddreg [dreg:$0x0]  }
0x2: {  	s2 =	rddreg [dreg:$0x1]  }
0x3: {  	s5 =	rddreg [dreg:$0x2]  }
0x4: {  	s3 =	srdreg.scid;
	s0 =	rddreg [dreg:$0x3];
	s4 =	simm.s32 $0x0  }
0x5: {  	s9 =	simm.s32 $0x400;
	s10 =	simm.s32 $0x18700;
	s11 =	simm.s32 $0x1  }
0x6: {  	s12 =	simm.s32 $0x19700;
	s13 =	simm.s32 $0x0;
	s6 =	sand.u32 $0x1, s3  }
0x7: {  	[smem:$0x7FF] =	sst s4;
	s3 =	stileid.u32;
	s7 =	ssub.s32 $0x2, s6  }
0x8: {  	s5 =	sadd.s32 $0x2600, s5;
	s6 =	sshll.u32 s6, $0x4;
	s8 =	sshrl.u32 s7, $0x1  }
0x9: {  	_ =	strace $0x80000047;
	s6 =	sor.u32 s3, s6;
	s7 =	ssub.s32 s7, s8  }
0xa: {  	s6 =	smul.u32 $0x34, s6;
	s8 =	simm.s32 $0x80;
	s7 =	smax.u32 s7, $0x1  }
.LBB2_1:
0xb: {  	s14 =	simm.s32 $0x0  }
.LBB2_2:
0xc: {  	s17 =	sadd.s32 s6, s14  }
0xd: {  	s15 =	sshrl.u32 s17, $0x2  }
0xe: {  	s16 =	sshll.u32 s17, $0x3;
	s15 =	sand.u32 $0x70, s15  }
0xf: {  	s30 =	sshrl.u32 s17, $0x3;
	s16 =	sand.u32 $0xFFFF000, s16;
	s15 =	sadd.s32 s2, s15  }
0x10: {  	s15 =	sadd.s32 s16, s15;
	s16 =	sand.u32 $0x7, s30  }
0x11: {  	[tilespmem:s10], [sflag:$0x1] =	stream.strided.gather [hbm4b:s15+s8], $0x1000, s9, s8, $0x38;
	[tilespmem:$0x1A700] =	vst v63  }
0x12: {  	s15 =	sshrl.u32 s17, $0x6;
	s19 =	smul.u32 $0xC3800, s16  }
0x13: {  	s18 =	smul.u32 $0x61C000, s15  }
0x14: {  	s17 =	sshll.u32 s17, $0x7  }
0x15: {  	s17 =	sand.u32 $0x380, s17;
	s18 =	sadd.s32 s18, s19  }
0x16: {  	_ =	swait.ge [sflag:s11], $0x1000;
	s18 =	sor.u32 s17, s18  }
0x17: {  	[sflag:s11] =	ssyncset.done $0x0;
	s18 =	sshrl.u32 s18, $0x3  }
0x18: {  	s31 =	simm.s32 $0x0;
	[sflag:s11] =	ssyncadd.s32 $0xFFFFF000;
	s18 =	sadd.s32 s1, s18  }
0x19: {  	[tilespmem:s31], [sflag:$0x1] =	stream.strided.gather [hbm4b:s18+s8], $0x18700, s9, s8, $0x38;
	[tilespmem:$0x1A700] =	vst v63  }
0x1a: {  	_ =	swait.ge [sflag:s11], $0x18700  }
0x1b: {  	[sflag:s11] =	ssyncset.done $0x0  }
0x1c: {  	s19 =	simm.s32 $0x0;
	[sflag:s11] =	ssyncadd.s32 $0xFFFE7900  }
0x1d: {  	v0 =	vld [tilespmem:s19+$0x18700];
	_ =	sdelay $0x7  }
0x1e: {  	s20 =	simm.s32 $0x80;
	s18 =	simm.s32 $0x10;
	v0 =	vld.idx.msk [tilespmem:v0+s4+$0x0], $0xffff  }
.LBB2_3:
0x1f: {  	p0 =	sne.s32 s20, $0x3FC0;
	v1 =	vld [tilespmem:s18+$0x18700];
	_ =	sdelay $0x3  }
.Ltmp0:
0x20: {  	(pc) =	sbr.rel @p0 .LBB2_3-.Ltmp0, $2  }
0x21: {  	[tilespmem:s19+$0x19700] =	vst v0;
	s19 =	smov.u32 s18;
	_ =	sdelay $0x2  }
0x22: {  	s18 =	sshra.s32 s20, $0x2;
	s20 =	sadd.s32 $0x40, s20;
	v0 =	vld.idx.msk [tilespmem:v1+s4+$0x0], $0xffff  }
0x23: {  	v1 =	vld [tilespmem:s18+$0x18700];
	_ =	sdelay $0x6  }
0x24: {  	[tilespmem:s19+$0x19700] =	vst v0  }
0x25: {  	v0 =	vld.idx.msk [tilespmem:v1+s4+$0x0], $0xffff  }
0x26: {  	s15 =	sshll.u32 s15, $0x12;
	s16 =	sshll.u32 s16, $0xF  }
0x27: {  	s15 =	sor.u32 s15, s16  }
0x28: {  	s14 =	sadd.s32 $0x1, s14;
	s15 =	sor.u32 s17, s15  }
0x29: {  	p0 =	sne.s32 s14, $0x34;
	s15 =	sshrl.u32 s15, $0x3  }
.Ltmp1:
0x2a: {  	s15 =	sadd.s32 s5, s15;
	[tilespmem:s18+$0x19700] =	vst v0;
	(pc) =	sbr.rel @p0 .LBB2_2-.Ltmp1, $4  }
0x2b: {  	[hbm4b:s15+s8] =	stream.strided.scatter [tilespmem:s12], [sflag:$0x1], $0x1000, s9, s8, $0x38;
	[tilespmem:$0x1A700] =	vst v63  }
0x2c: {  	_ =	swait.ge [sflag:s11], $0x1000  }
0x2d: {  	[sflag:s11] =	ssyncset.done $0x0  }
0x2e: {  	[sflag:s11] =	ssyncadd.s32 $0xFFFFF000  }
0x2f: {  	s13 =	sadd.s32 $0x1, s13  }
0x30: {  	p0 =	sne.s32 s13, s7  }
.Ltmp2:
0x31: {  	_ = 	snop;
	(pc) =	sbr.rel @p0 .LBB2_1-.Ltmp2, $1  }
0x32: {  	_ =	sdelay $0x3  }
0x33: {  	_ =	sfence.sel $0x180000  }
0x34: {  	[bflag:$0x0] =	sbarrier.arrive $0xFFFF  }
0x35: {  	p0 =	sne.s32 s3, $0x0;
	_ =	strace $0x90000047  }
0x36: {  	s0 =	sadd.s32 @!p0 $0x100000, s0;
	[bflag:$0x2] =	sbarrier.arrive $0xFFFF  }
0x37: {  	[sflag:s0] =	ssyncadd.tile.s32 @!p0 $0x1;
	_ =	shalt  }
.Lfunc_end2:
_tile_overlayer_lowered:
.L_overlay_start_2:
0x38: {  	(tag) =	ssettag $0x2  }
0x39: {  	s0 =	rddreg [dreg:$0x0];
	s2 =	stileid.u32  }
0x3a: {  	s1 =	rddreg [dreg:$0x1];
	p0 =	sne.s32 s2, $0x0  }
0x3b: {  	s3 =	rddreg [dreg:$0x2];
	[bflag:$0x3] =	sbarrier.arrive $0xFFFF;
	s2 =	simm.s32 @!p0 $0x1C01  }
0x3c: {  	[timem:s3], [sflag:s2] =	dma.local @!p0 [hbm:s0], s1  }
0x3d: {  	s0 =	simm.s32 @!p0 $0x1  }
0x3e: {  	_ =	swait.ge @!p0 [sflag:s0], s1  }
0x3f: {  	s1 =	ssub.s32 @!p0 $0x0, s1;
	[sflag:s0] =	ssyncset.done @!p0 $0x0  }
0x40: {  	[sflag:s0] =	ssyncadd.s32 @!p0 s1  }
0x41: {  	[bflag:$0x3] =	sbarrier.arrive $0xFFFF  }
0x42: {  	_ =	shalt  }

</sc_bundles>
